<compile_context>
chip_gen: v7x
topology: tpu7x:2x2x1
jax: 0.10.2.dev20260603
libtpu: 0.0.44.dev20260713+nightly
codegen_flags: <defaults>
</compile_context>

<pallas_src>
import jax
import jax.numpy as jnp
from jax import lax
from jax.experimental import pallas as pl
from jax.experimental.pallas import tpu as pltpu
from jax.experimental.pallas import tpu_sc as plsc

N_NODES = 10000
N_EDGES = 320000
D_FEAT = 128

NC = 2
NS = 16
NW = NC * NS
CHUNK = 128
N_CHUNKS = 81
E_PER_TILE = N_CHUNKS * CHUNK
E_PAD = NW * E_PER_TILE
N_PAIR = (N_CHUNKS - 1) // 2
N_PAD = 10112
ROWS_PER_TILE = N_PAD // NS


def _sc_body(src_hbm, dst_hbm, x_hbm, zacc_hbm, zdeg_hbm, ones_hbm,
             part_out, deg_out,
             acc, deg, src_a, dst_a, src_b, dst_b, rows_a, rows_b,
             ones_v, dtmp, gsem_a, gsem_b, ssem_a, ssem_b, dsem_a, dsem_b):
    cid = lax.axis_index("c")
    sid = lax.axis_index("s")
    wid = cid * NS + sid

    r0 = sid * ROWS_PER_TILE
    pltpu.sync_copy(zacc_hbm, acc.at[pl.ds(r0, ROWS_PER_TILE), :])
    pltpu.sync_copy(zdeg_hbm, dtmp)
    pltpu.sync_copy(dtmp, deg.at[pl.ds(r0, ROWS_PER_TILE)])
    pltpu.sync_copy(ones_hbm, ones_v)
    plsc.subcore_barrier()

    base = wid * E_PER_TILE

    def idx_fetch(off, src_v, dst_v):
        pltpu.sync_copy(src_hbm.at[pl.ds(off, CHUNK)], src_v)
        pltpu.sync_copy(dst_hbm.at[pl.ds(off, CHUNK)], dst_v)

    def fire_scatters(rows_v, dst_v, ssem, dsem):
        pltpu.async_copy(rows_v, acc.at[dst_v], ssem, add=True)
        pltpu.async_copy(ones_v, deg.at[dst_v], dsem, add=True)

    def drain_scatters(rows_v, dst_v, ssem, dsem):
        pltpu.make_async_copy(rows_v, acc.at[dst_v], ssem).wait()
        pltpu.make_async_copy(ones_v, deg.at[dst_v], dsem).wait()

    idx_fetch(base, src_a, dst_a)
    pltpu.async_copy(x_hbm.at[src_a], rows_a, gsem_a)

    def pair_body(g, carry):
        offb = base + (2 * g + 1) * CHUNK
        offn = base + (2 * g + 2) * CHUNK
        idx_fetch(offb, src_b, dst_b)
        pltpu.async_copy(x_hbm.at[src_b], rows_b, gsem_b)
        pltpu.make_async_copy(x_hbm.at[src_a], rows_a, gsem_a).wait()
        fire_scatters(rows_a, dst_a, ssem_a, dsem_a)
        drain_scatters(rows_a, dst_a, ssem_a, dsem_a)
        idx_fetch(offn, src_a, dst_a)
        pltpu.async_copy(x_hbm.at[src_a], rows_a, gsem_a)
        pltpu.make_async_copy(x_hbm.at[src_b], rows_b, gsem_b).wait()
        fire_scatters(rows_b, dst_b, ssem_b, dsem_b)
        drain_scatters(rows_b, dst_b, ssem_b, dsem_b)
        return carry

    lax.fori_loop(0, N_PAIR, pair_body, 0)
    pltpu.make_async_copy(x_hbm.at[src_a], rows_a, gsem_a).wait()
    fire_scatters(rows_a, dst_a, ssem_a, dsem_a)
    drain_scatters(rows_a, dst_a, ssem_a, dsem_a)
    plsc.subcore_barrier()

    pltpu.sync_copy(acc.at[pl.ds(r0, ROWS_PER_TILE), :],
                    part_out.at[cid, pl.ds(r0, ROWS_PER_TILE), :])
    pltpu.sync_copy(deg.at[pl.ds(r0, ROWS_PER_TILE)], dtmp)
    pltpu.sync_copy(dtmp, deg_out.at[pl.ds(cid * N_PAD + r0, ROWS_PER_TILE)])


_sc_aggregate = pl.kernel(
    _sc_body,
    out_type=(
        jax.ShapeDtypeStruct((NC, N_PAD, D_FEAT), jnp.float32),
        jax.ShapeDtypeStruct((NC * N_PAD,), jnp.float32),
    ),
    mesh=plsc.VectorSubcoreMesh(core_axis_name="c", subcore_axis_name="s",
                                num_cores=NC, num_subcores=NS),
    scratch_types=[
        pltpu.VMEM_SHARED((N_PAD, D_FEAT), jnp.float32),
        pltpu.VMEM_SHARED((N_PAD,), jnp.float32),
        pltpu.VMEM((CHUNK,), jnp.int32),
        pltpu.VMEM((CHUNK,), jnp.int32),
        pltpu.VMEM((CHUNK,), jnp.int32),
        pltpu.VMEM((CHUNK,), jnp.int32),
        pltpu.VMEM((CHUNK, D_FEAT), jnp.float32),
        pltpu.VMEM((CHUNK, D_FEAT), jnp.float32),
        pltpu.VMEM((CHUNK,), jnp.float32),
        pltpu.VMEM((ROWS_PER_TILE,), jnp.float32),
        pltpu.SemaphoreType.DMA,
        pltpu.SemaphoreType.DMA,
        pltpu.SemaphoreType.DMA,
        pltpu.SemaphoreType.DMA,
        pltpu.SemaphoreType.DMA,
        pltpu.SemaphoreType.DMA,
    ],
)


def _combine_body(p_ref, d_ref, o_ref):
    s = p_ref[0] + p_ref[1]
    d = d_ref[0] + d_ref[1]
    out = jnp.where(d > 0.0, s / d, 0.0)
    o_ref[...] = out[:N_NODES, :]


def _combine(part, degp):
    return pl.pallas_call(
        _combine_body,
        in_specs=[
            pl.BlockSpec((NC, N_PAD, D_FEAT), lambda: (0, 0, 0)),
            pl.BlockSpec((NC, N_PAD, 1), lambda: (0, 0, 0)),
        ],
        out_specs=pl.BlockSpec((N_NODES, D_FEAT), lambda: (0, 0)),
        out_shape=jax.ShapeDtypeStruct((N_NODES, D_FEAT), jnp.float32),
    )(part, degp)


@jax.jit
def kernel(input, adj):
    pad = E_PAD - N_EDGES
    dst = jnp.concatenate([adj[0], jnp.full((pad,), N_NODES, jnp.int32)])
    src = jnp.concatenate([adj[1], jnp.zeros((pad,), jnp.int32)])
    zacc = jnp.zeros((ROWS_PER_TILE, D_FEAT), jnp.float32)
    zdeg = jnp.zeros((ROWS_PER_TILE,), jnp.float32)
    ones = jnp.ones((CHUNK,), jnp.float32)
    part, degflat = _sc_aggregate(src, dst, input, zacc, zdeg, ones)
    return _combine(part, degflat.reshape(NC, N_PAD, 1))

# --- scband reference (transcript-rebuilt; emitter-appended) ---
"""Pipeline reference for scband-neigh-layer-36644660969839 (READ-ONLY COPY).

The authoritative reference and input builder live on the scoring server;
editing this copy changes nothing except your own understanding.
"""

import jax, jax.numpy as jnp
import numpy as np

N_NODES = 10000
N_EDGES = 320000
D_FEAT = 128

def setup_inputs(seed: int = 0) -> dict:
    key = jax.random.key(seed)
    k1, k2 = jax.random.split(key)
    x = jax.random.normal(k1, (N_NODES, D_FEAT), dtype=jnp.float32)
    adj = jax.random.randint(k2, (2, N_EDGES), 0, N_NODES, dtype=jnp.int32)
    return {"input": x, "adj": adj}

def reference(input, adj):
    # adj represents a sparse [N, N] matrix in COO form with all-ones values:
    # row indices (dst) = adj[0], col indices (src) = adj[1].
    # agg_type='mean': output = (adj @ input) / rowsum(adj), nan -> 0, no bias.
    dst = adj[0]
    src = adj[1]
    msgs = jnp.take(input, src, axis=0)
    out = jax.ops.segment_sum(msgs, dst, num_segments=N_NODES)
    deg = jax.ops.segment_sum(jnp.ones((N_EDGES,), dtype=input.dtype), dst, num_segments=N_NODES)
    out = out / deg[:, None]
    out = jnp.where(jnp.isnan(out), jnp.zeros_like(out), out)
    return out

if __name__ == "__main__":
    import jax
    _d = setup_inputs()
    print(jax.jit(kernel)(*tuple(_d.values())))

</pallas_src>

<mosaic_0001>
#map = affine_map<(d0, d1) -> (0)>
#map1 = affine_map<(d0, d1) -> (0, 0)>
#map2 = affine_map<(d0, d1) -> (0, 0, 0)>
module attributes {stable_mosaic.version = 14 : i64} {
  func.func @_sc_body(%arg0: i32, %arg1: i32, %arg2: memref<331776xi32, #tpu.memory_space<hbm>>, %arg3: memref<331776xi32, #tpu.memory_space<hbm>>, %arg4: memref<10000x128xf32, #tpu.memory_space<hbm>>, %arg5: memref<632x128xf32, #tpu.memory_space<hbm>>, %arg6: memref<632xf32, #tpu.memory_space<hbm>>, %arg7: memref<128xf32, #tpu.memory_space<hbm>>, %arg8: memref<2x10112x128xf32, #tpu.memory_space<hbm>>, %arg9: memref<20224xf32, #tpu.memory_space<hbm>>, %arg10: memref<10112x128xf32, #tpu.memory_space<vmem_shared>>, %arg11: memref<10112xf32, #tpu.memory_space<vmem_shared>>, %arg12: memref<128xi32, #tpu.memory_space<vmem>>, %arg13: memref<128xi32, #tpu.memory_space<vmem>>, %arg14: memref<128xi32, #tpu.memory_space<vmem>>, %arg15: memref<128xi32, #tpu.memory_space<vmem>>, %arg16: memref<128x128xf32, #tpu.memory_space<vmem>>, %arg17: memref<128x128xf32, #tpu.memory_space<vmem>>, %arg18: memref<128xf32, #tpu.memory_space<vmem>>, %arg19: memref<632xf32, #tpu.memory_space<vmem>>, %arg20: memref<!tpu.dma_semaphore, #tpu.memory_space<semaphore_mem>>, %arg21: memref<!tpu.dma_semaphore, #tpu.memory_space<semaphore_mem>>, %arg22: memref<!tpu.dma_semaphore, #tpu.memory_space<semaphore_mem>>, %arg23: memref<!tpu.dma_semaphore, #tpu.memory_space<semaphore_mem>>, %arg24: memref<!tpu.dma_semaphore, #tpu.memory_space<semaphore_mem>>, %arg25: memref<!tpu.dma_semaphore, #tpu.memory_space<semaphore_mem>>) attributes {dimension_semantics = [#tpu.dimension_semantics<core_parallel>, #tpu.dimension_semantics<subcore_parallel>], iteration_bounds = array<i64: 2, 16>, scalar_prefetch = 0 : i64, scratch_operands = 16 : i64, tpu.core_type = #tpu.core_type<sc_vector_subcore>, window_params = [{transform_indices = #map}, {transform_indices = #map}, {transform_indices = #map1}, {transform_indices = #map1}, {transform_indices = #map}, {transform_indices = #map}, {transform_indices = #map2}, {transform_indices = #map}]} {
    %mul3A = arith.constant 16 : i32
    %mul3A_0 = arith.muli %arg0, %mul3A : i32
    %add3A = arith.addi %mul3A_0, %arg1 : i32
    %mul3A_1 = arith.constant 632 : i32
    %mul3A_2 = arith.muli %arg1, %mul3A_1 : i32
    "tpu.region"() ({
      %run_scoped3A = tpu.sem_alloc : memref<!tpu.dma_semaphore, #tpu.memory_space<semaphore_mem>>
      %dma_start3A_28 = arith.constant 0 : i32
      %dma_start3A_29 = tpu.memref_slice %arg10[%mul3A_2, %dma_start3A_28] : memref<10112x128xf32, #tpu.memory_space<vmem_shared>> -> memref<632x128xf32, #tpu.memory_space<vmem_shared>>
      tpu.enqueue_dma source(%arg5 : memref<632x128xf32, #tpu.memory_space<hbm>>) target(%dma_start3A_29 : memref<632x128xf32, #tpu.memory_space<vmem_shared>>) target_semaphore(%run_scoped3A : memref<!tpu.dma_semaphore, #tpu.memory_space<semaphore_mem>>)
      %dma_wait3A_30 = arith.constant 0 : i32
      %dma_wait3A_31 = tpu.memref_slice %arg10[%mul3A_2, %dma_wait3A_30] : memref<10112x128xf32, #tpu.memory_space<vmem_shared>> -> memref<632x128xf32, #tpu.memory_space<vmem_shared>>
      tpu.wait_dma2 semaphore(%run_scoped3A : memref<!tpu.dma_semaphore, #tpu.memory_space<semaphore_mem>>) src(%arg5 : memref<632x128xf32, #tpu.memory_space<hbm>>) dst(%dma_wait3A_31 : memref<632x128xf32, #tpu.memory_space<vmem_shared>>)
      tpu.yield
    }) : () -> ()
    "tpu.region"() ({
      %run_scoped3A = tpu.sem_alloc : memref<!tpu.dma_semaphore, #tpu.memory_space<semaphore_mem>>
      tpu.enqueue_dma source(%arg6 : memref<632xf32, #tpu.memory_space<hbm>>) target(%arg19 : memref<632xf32, #tpu.memory_space<vmem>>) target_semaphore(%run_scoped3A : memref<!tpu.dma_semaphore, #tpu.memory_space<semaphore_mem>>)
      tpu.wait_dma2 semaphore(%run_scoped3A : memref<!tpu.dma_semaphore, #tpu.memory_space<semaphore_mem>>) src(%arg6 : memref<632xf32, #tpu.memory_space<hbm>>) dst(%arg19 : memref<632xf32, #tpu.memory_space<vmem>>)
      tpu.yield
    }) : () -> ()
    "tpu.region"() ({
      %run_scoped3A = tpu.sem_alloc : memref<!tpu.dma_semaphore, #tpu.memory_space<semaphore_mem>>
      %dma_start3A_28 = tpu.memref_slice %arg11[%mul3A_2] : memref<10112xf32, #tpu.memory_space<vmem_shared>> -> memref<632xf32, #tpu.memory_space<vmem_shared>>
      %dma_start3A_29 = tpu.memref_slice %arg11[%mul3A_2] : memref<10112xf32, #tpu.memory_space<vmem_shared>> -> memref<632xf32, #tpu.memory_space<vmem_shared>>
      tpu.enqueue_dma source(%arg19 : memref<632xf32, #tpu.memory_space<vmem>>) target(%dma_start3A_29 : memref<632xf32, #tpu.memory_space<vmem_shared>>) target_semaphore(%run_scoped3A : memref<!tpu.dma_semaphore, #tpu.memory_space<semaphore_mem>>)
      %dma_wait3A_30 = tpu.memref_slice %arg11[%mul3A_2] : memref<10112xf32, #tpu.memory_space<vmem_shared>> -> memref<632xf32, #tpu.memory_space<vmem_shared>>
      %dma_wait3A_31 = tpu.memref_slice %arg11[%mul3A_2] : memref<10112xf32, #tpu.memory_space<vmem_shared>> -> memref<632xf32, #tpu.memory_space<vmem_shared>>
      tpu.wait_dma2 semaphore(%run_scoped3A : memref<!tpu.dma_semaphore, #tpu.memory_space<semaphore_mem>>) src(%arg19 : memref<632xf32, #tpu.memory_space<vmem>>) dst(%dma_wait3A_31 : memref<632xf32, #tpu.memory_space<vmem_shared>>)
      tpu.yield
    }) : () -> ()
    "tpu.region"() ({
      %run_scoped3A = tpu.sem_alloc : memref<!tpu.dma_semaphore, #tpu.memory_space<semaphore_mem>>
      tpu.enqueue_dma source(%arg7 : memref<128xf32, #tpu.memory_space<hbm>>) target(%arg18 : memref<128xf32, #tpu.memory_space<vmem>>) target_semaphore(%run_scoped3A : memref<!tpu.dma_semaphore, #tpu.memory_space<semaphore_mem>>)
      tpu.wait_dma2 semaphore(%run_scoped3A : memref<!tpu.dma_semaphore, #tpu.memory_space<semaphore_mem>>) src(%arg7 : memref<128xf32, #tpu.memory_space<hbm>>) dst(%arg18 : memref<128xf32, #tpu.memory_space<vmem>>)
      tpu.yield
    }) : () -> ()
    %barrier3A = arith.constant 0 : index
    tpu.barrier barrier_id(%barrier3A)
    %mul3A_3 = arith.constant 10368 : i32
    %mul3A_4 = arith.muli %add3A, %mul3A_3 : i32
    "tpu.region"() ({
      %run_scoped3A = tpu.sem_alloc : memref<!tpu.dma_semaphore, #tpu.memory_space<semaphore_mem>>
      %dma_start3A_28 = tpu.memref_slice %arg2[%mul3A_4] : memref<331776xi32, #tpu.memory_space<hbm>> -> memref<128xi32, #tpu.memory_space<hbm>>
      %dma_start3A_29 = tpu.memref_slice %arg2[%mul3A_4] : memref<331776xi32, #tpu.memory_space<hbm>> -> memref<128xi32, #tpu.memory_space<hbm>>
      tpu.enqueue_dma source(%dma_start3A_29 : memref<128xi32, #tpu.memory_space<hbm>>) target(%arg12 : memref<128xi32, #tpu.memory_space<vmem>>) target_semaphore(%run_scoped3A : memref<!tpu.dma_semaphore, #tpu.memory_space<semaphore_mem>>)
      %dma_wait3A_30 = tpu.memref_slice %arg2[%mul3A_4] : memref<331776xi32, #tpu.memory_space<hbm>> -> memref<128xi32, #tpu.memory_space<hbm>>
      %dma_wait3A_31 = tpu.memref_slice %arg2[%mul3A_4] : memref<331776xi32, #tpu.memory_space<hbm>> -> memref<128xi32, #tpu.memory_space<hbm>>
      tpu.wait_dma2 semaphore(%run_scoped3A : memref<!tpu.dma_semaphore, #tpu.memory_space<semaphore_mem>>) src(%dma_wait3A_31 : memref<128xi32, #tpu.memory_space<hbm>>) dst(%arg12 : memref<128xi32, #tpu.memory_space<vmem>>)
      tpu.yield
    }) : () -> ()
    "tpu.region"() ({
      %run_scoped3A = tpu.sem_alloc : memref<!tpu.dma_semaphore, #tpu.memory_space<semaphore_mem>>
      %dma_start3A_28 = tpu.memref_slice %arg3[%mul3A_4] : memref<331776xi32, #tpu.memory_space<hbm>> -> memref<128xi32, #tpu.memory_space<hbm>>
      %dma_start3A_29 = tpu.memref_slice %arg3[%mul3A_4] : memref<331776xi32, #tpu.memory_space<hbm>> -> memref<128xi32, #tpu.memory_space<hbm>>
      tpu.enqueue_dma source(%dma_start3A_29 : memref<128xi32, #tpu.memory_space<hbm>>) target(%arg13 : memref<128xi32, #tpu.memory_space<vmem>>) target_semaphore(%run_scoped3A : memref<!tpu.dma_semaphore, #tpu.memory_space<semaphore_mem>>)
      %dma_wait3A_30 = tpu.memref_slice %arg3[%mul3A_4] : memref<331776xi32, #tpu.memory_space<hbm>> -> memref<128xi32, #tpu.memory_space<hbm>>
      %dma_wait3A_31 = tpu.memref_slice %arg3[%mul3A_4] : memref<331776xi32, #tpu.memory_space<hbm>> -> memref<128xi32, #tpu.memory_space<hbm>>
      tpu.wait_dma2 semaphore(%run_scoped3A : memref<!tpu.dma_semaphore, #tpu.memory_space<semaphore_mem>>) src(%dma_wait3A_31 : memref<128xi32, #tpu.memory_space<hbm>>) dst(%arg13 : memref<128xi32, #tpu.memory_space<vmem>>)
      tpu.yield
    }) : () -> ()
    %dma_start3A = arith.constant 0 : i32
    %dma_start3A_5 = arith.constant 0 : i32
    %dma_start3A_6 = tpu.memref_slice %arg4[%dma_start3A, %dma_start3A_5] : memref<10000x128xf32, #tpu.memory_space<hbm>> -> memref<10000x128xf32, #tpu.memory_space<hbm>>
    tpu.enqueue_indirect_dma source(%dma_start3A_6 : memref<10000x128xf32, #tpu.memory_space<hbm>>) target(%arg16 : memref<128x128xf32, #tpu.memory_space<vmem>>) offsets(%arg12 : memref<128xi32, #tpu.memory_space<vmem>>) semaphore(%arg20 : memref<!tpu.dma_semaphore, #tpu.memory_space<semaphore_mem>>)
    %scan3A = arith.constant 0 : i32
    %scan3A_7 = arith.constant 0 : i32
    %scan3A_8 = arith.constant 40 : i32
    %scan3A_9 = arith.addi %scan3A_7, %scan3A_8 : i32
    %scan3A_10 = arith.constant 1 : i32
    scf.for %scan3A_28 = %scan3A_7 to %scan3A_9 step %scan3A_10  : i32 {
      %mul3A_29 = arith.constant 2 : i32
      %mul3A_30 = arith.muli %mul3A_29, %scan3A_28 : i32
      %add3A_31 = arith.constant 1 : i32
      %add3A_32 = arith.addi %mul3A_30, %add3A_31 : i32
      %mul3A_33 = arith.constant 128 : i32
      %mul3A_34 = arith.muli %add3A_32, %mul3A_33 : i32
      %add3A_35 = arith.addi %mul3A_4, %mul3A_34 : i32
      %mul3A_36 = arith.constant 2 : i32
      %mul3A_37 = arith.muli %mul3A_36, %scan3A_28 : i32
      %add3A_38 = arith.constant 2 : i32
      %add3A_39 = arith.addi %mul3A_37, %add3A_38 : i32
      %mul3A_40 = arith.constant 128 : i32
      %mul3A_41 = arith.muli %add3A_39, %mul3A_40 : i32
      %add3A_42 = arith.addi %mul3A_4, %mul3A_41 : i32
      "tpu.region"() ({
        %run_scoped3A = tpu.sem_alloc : memref<!tpu.dma_semaphore, #tpu.memory_space<semaphore_mem>>
        %dma_start3A_75 = tpu.memref_slice %arg2[%add3A_35] : memref<331776xi32, #tpu.memory_space<hbm>> -> memref<128xi32, #tpu.memory_space<hbm>>
        %dma_start3A_76 = tpu.memref_slice %arg2[%add3A_35] : memref<331776xi32, #tpu.memory_space<hbm>> -> memref<128xi32, #tpu.memory_space<hbm>>
        tpu.enqueue_dma source(%dma_start3A_76 : memref<128xi32, #tpu.memory_space<hbm>>) target(%arg14 : memref<128xi32, #tpu.memory_space<vmem>>) target_semaphore(%run_scoped3A : memref<!tpu.dma_semaphore, #tpu.memory_space<semaphore_mem>>)
        %dma_wait3A_77 = tpu.memref_slice %arg2[%add3A_35] : memref<331776xi32, #tpu.memory_space<hbm>> -> memref<128xi32, #tpu.memory_space<hbm>>
        %dma_wait3A_78 = tpu.memref_slice %arg2[%add3A_35] : memref<331776xi32, #tpu.memory_space<hbm>> -> memref<128xi32, #tpu.memory_space<hbm>>
        tpu.wait_dma2 semaphore(%run_scoped3A : memref<!tpu.dma_semaphore, #tpu.memory_space<semaphore_mem>>) src(%dma_wait3A_78 : memref<128xi32, #tpu.memory_space<hbm>>) dst(%arg14 : memref<128xi32, #tpu.memory_space<vmem>>)
        tpu.yield
      }) : () -> ()
      "tpu.region"() ({
        %run_scoped3A = tpu.sem_alloc : memref<!tpu.dma_semaphore, #tpu.memory_space<semaphore_mem>>
        %dma_start3A_75 = tpu.memref_slice %arg3[%add3A_35] : memref<331776xi32, #tpu.memory_space<hbm>> -> memref<128xi32, #tpu.memory_space<hbm>>
        %dma_start3A_76 = tpu.memref_slice %arg3[%add3A_35] : memref<331776xi32, #tpu.memory_space<hbm>> -> memref<128xi32, #tpu.memory_space<hbm>>
        tpu.enqueue_dma source(%dma_start3A_76 : memref<128xi32, #tpu.memory_space<hbm>>) target(%arg15 : memref<128xi32, #tpu.memory_space<vmem>>) target_semaphore(%run_scoped3A : memref<!tpu.dma_semaphore, #tpu.memory_space<semaphore_mem>>)
        %dma_wait3A_77 = tpu.memref_slice %arg3[%add3A_35] : memref<331776xi32, #tpu.memory_space<hbm>> -> memref<128xi32, #tpu.memory_space<hbm>>
        %dma_wait3A_78 = tpu.memref_slice %arg3[%add3A_35] : memref<331776xi32, #tpu.memory_space<hbm>> -> memref<128xi32, #tpu.memory_space<hbm>>
        tpu.wait_dma2 semaphore(%run_scoped3A : memref<!tpu.dma_semaphore, #tpu.memory_space<semaphore_mem>>) src(%dma_wait3A_78 : memref<128xi32, #tpu.memory_space<hbm>>) dst(%arg15 : memref<128xi32, #tpu.memory_space<vmem>>)
        tpu.yield
      }) : () -> ()
      %dma_start3A_43 = arith.constant 0 : i32
      %dma_start3A_44 = arith.constant 0 : i32
      %dma_start3A_45 = tpu.memref_slice %arg4[%dma_start3A_43, %dma_start3A_44] : memref<10000x128xf32, #tpu.memory_space<hbm>> -> memref<10000x128xf32, #tpu.memory_space<hbm>>
      tpu.enqueue_indirect_dma source(%dma_start3A_45 : memref<10000x128xf32, #tpu.memory_space<hbm>>) target(%arg17 : memref<128x128xf32, #tpu.memory_space<vmem>>) offsets(%arg14 : memref<128xi32, #tpu.memory_space<vmem>>) semaphore(%arg21 : memref<!tpu.dma_semaphore, #tpu.memory_space<semaphore_mem>>)
      %dma_wait3A_46 = arith.constant 0 : i32
      %dma_wait3A_47 = arith.constant 0 : i32
      %dma_wait3A_48 = tpu.memref_slice %arg4[%dma_wait3A_46, %dma_wait3A_47] : memref<10000x128xf32, #tpu.memory_space<hbm>> -> memref<10000x128xf32, #tpu.memory_space<hbm>>
      tpu.wait_indirect_dma semaphore(%arg20 : memref<!tpu.dma_semaphore, #tpu.memory_space<semaphore_mem>>) src(%dma_wait3A_48 : memref<10000x128xf32, #tpu.memory_space<hbm>>) dst(%arg16 : memref<128x128xf32, #tpu.memory_space<vmem>>)
      %dma_start3A_49 = arith.constant 0 : i32
      %dma_start3A_50 = arith.constant 0 : i32
      %dma_start3A_51 = tpu.memref_slice %arg10[%dma_start3A_49, %dma_start3A_50] : memref<10112x128xf32, #tpu.memory_space<vmem_shared>> -> memref<10112x128xf32, #tpu.memory_space<vmem_shared>>
      tpu.enqueue_indirect_dma source(%arg16 : memref<128x128xf32, #tpu.memory_space<vmem>>) target(%dma_start3A_51 : memref<10112x128xf32, #tpu.memory_space<vmem_shared>>) offsets(%arg13 : memref<128xi32, #tpu.memory_space<vmem>>) semaphore(%arg22 : memref<!tpu.dma_semaphore, #tpu.memory_space<semaphore_mem>>) {add = true}
      %dma_start3A_52 = arith.constant 0 : i32
      %dma_start3A_53 = tpu.memref_slice %arg11[%dma_start3A_52] : memref<10112xf32, #tpu.memory_space<vmem_shared>> -> memref<10112xf32, #tpu.memory_space<vmem_shared>>
      tpu.enqueue_indirect_dma source(%arg18 : memref<128xf32, #tpu.memory_space<vmem>>) target(%dma_start3A_53 : memref<10112xf32, #tpu.memory_space<vmem_shared>>) offsets(%arg13 : memref<128xi32, #tpu.memory_space<vmem>>) semaphore(%arg24 : memref<!tpu.dma_semaphore, #tpu.memory_space<semaphore_mem>>) {add = true}
      %dma_wait3A_54 = arith.constant 0 : i32
      %dma_wait3A_55 = arith.constant 0 : i32
      %dma_wait3A_56 = tpu.memref_slice %arg10[%dma_wait3A_54, %dma_wait3A_55] : memref<10112x128xf32, #tpu.memory_space<vmem_shared>> -> memref<10112x128xf32, #tpu.memory_space<vmem_shared>>
      tpu.wait_indirect_dma semaphore(%arg22 : memref<!tpu.dma_semaphore, #tpu.memory_space<semaphore_mem>>) src(%arg16 : memref<128x128xf32, #tpu.memory_space<vmem>>) dst(%dma_wait3A_56 : memref<10112x128xf32, #tpu.memory_space<vmem_shared>>)
      %dma_wait3A_57 = arith.constant 0 : i32
      %dma_wait3A_58 = tpu.memref_slice %arg11[%dma_wait3A_57] : memref<10112xf32, #tpu.memory_space<vmem_shared>> -> memref<10112xf32, #tpu.memory_space<vmem_shared>>
      tpu.wait_indirect_dma semaphore(%arg24 : memref<!tpu.dma_semaphore, #tpu.memory_space<semaphore_mem>>) src(%arg18 : memref<128xf32, #tpu.memory_space<vmem>>) dst(%dma_wait3A_58 : memref<10112xf32, #tpu.memory_space<vmem_shared>>)
      "tpu.region"() ({
        %run_scoped3A = tpu.sem_alloc : memref<!tpu.dma_semaphore, #tpu.memory_space<semaphore_mem>>
        %dma_start3A_75 = tpu.memref_slice %arg2[%add3A_42] : memref<331776xi32, #tpu.memory_space<hbm>> -> memref<128xi32, #tpu.memory_space<hbm>>
        %dma_start3A_76 = tpu.memref_slice %arg2[%add3A_42] : memref<331776xi32, #tpu.memory_space<hbm>> -> memref<128xi32, #tpu.memory_space<hbm>>
        tpu.enqueue_dma source(%dma_start3A_76 : memref<128xi32, #tpu.memory_space<hbm>>) target(%arg12 : memref<128xi32, #tpu.memory_space<vmem>>) target_semaphore(%run_scoped3A : memref<!tpu.dma_semaphore, #tpu.memory_space<semaphore_mem>>)
        %dma_wait3A_77 = tpu.memref_slice %arg2[%add3A_42] : memref<331776xi32, #tpu.memory_space<hbm>> -> memref<128xi32, #tpu.memory_space<hbm>>
        %dma_wait3A_78 = tpu.memref_slice %arg2[%add3A_42] : memref<331776xi32, #tpu.memory_space<hbm>> -> memref<128xi32, #tpu.memory_space<hbm>>
        tpu.wait_dma2 semaphore(%run_scoped3A : memref<!tpu.dma_semaphore, #tpu.memory_space<semaphore_mem>>) src(%dma_wait3A_78 : memref<128xi32, #tpu.memory_space<hbm>>) dst(%arg12 : memref<128xi32, #tpu.memory_space<vmem>>)
        tpu.yield
      }) : () -> ()
      "tpu.region"() ({
        %run_scoped3A = tpu.sem_alloc : memref<!tpu.dma_semaphore, #tpu.memory_space<semaphore_mem>>
        %dma_start3A_75 = tpu.memref_slice %arg3[%add3A_42] : memref<331776xi32, #tpu.memory_space<hbm>> -> memref<128xi32, #tpu.memory_space<hbm>>
        %dma_start3A_76 = tpu.memref_slice %arg3[%add3A_42] : memref<331776xi32, #tpu.memory_space<hbm>> -> memref<128xi32, #tpu.memory_space<hbm>>
        tpu.enqueue_dma source(%dma_start3A_76 : memref<128xi32, #tpu.memory_space<hbm>>) target(%arg13 : memref<128xi32, #tpu.memory_space<vmem>>) target_semaphore(%run_scoped3A : memref<!tpu.dma_semaphore, #tpu.memory_space<semaphore_mem>>)
        %dma_wait3A_77 = tpu.memref_slice %arg3[%add3A_42] : memref<331776xi32, #tpu.memory_space<hbm>> -> memref<128xi32, #tpu.memory_space<hbm>>
        %dma_wait3A_78 = tpu.memref_slice %arg3[%add3A_42] : memref<331776xi32, #tpu.memory_space<hbm>> -> memref<128xi32, #tpu.memory_space<hbm>>
        tpu.wait_dma2 semaphore(%run_scoped3A : memref<!tpu.dma_semaphore, #tpu.memory_space<semaphore_mem>>) src(%dma_wait3A_78 : memref<128xi32, #tpu.memory_space<hbm>>) dst(%arg13 : memref<128xi32, #tpu.memory_space<vmem>>)
        tpu.yield
      }) : () -> ()
      %dma_start3A_59 = arith.constant 0 : i32
      %dma_start3A_60 = arith.constant 0 : i32
      %dma_start3A_61 = tpu.memref_slice %arg4[%dma_start3A_59, %dma_start3A_60] : memref<10000x128xf32, #tpu.memory_space<hbm>> -> memref<10000x128xf32, #tpu.memory_space<hbm>>
      tpu.enqueue_indirect_dma source(%dma_start3A_61 : memref<10000x128xf32, #tpu.memory_space<hbm>>) target(%arg16 : memref<128x128xf32, #tpu.memory_space<vmem>>) offsets(%arg12 : memref<128xi32, #tpu.memory_space<vmem>>) semaphore(%arg20 : memref<!tpu.dma_semaphore, #tpu.memory_space<semaphore_mem>>)
      %dma_wait3A_62 = arith.constant 0 : i32
      %dma_wait3A_63 = arith.constant 0 : i32
      %dma_wait3A_64 = tpu.memref_slice %arg4[%dma_wait3A_62, %dma_wait3A_63] : memref<10000x128xf32, #tpu.memory_space<hbm>> -> memref<10000x128xf32, #tpu.memory_space<hbm>>
      tpu.wait_indirect_dma semaphore(%arg21 : memref<!tpu.dma_semaphore, #tpu.memory_space<semaphore_mem>>) src(%dma_wait3A_64 : memref<10000x128xf32, #tpu.memory_space<hbm>>) dst(%arg17 : memref<128x128xf32, #tpu.memory_space<vmem>>)
      %dma_start3A_65 = arith.constant 0 : i32
      %dma_start3A_66 = arith.constant 0 : i32
      %dma_start3A_67 = tpu.memref_slice %arg10[%dma_start3A_65, %dma_start3A_66] : memref<10112x128xf32, #tpu.memory_space<vmem_shared>> -> memref<10112x128xf32, #tpu.memory_space<vmem_shared>>
      tpu.enqueue_indirect_dma source(%arg17 : memref<128x128xf32, #tpu.memory_space<vmem>>) target(%dma_start3A_67 : memref<10112x128xf32, #tpu.memory_space<vmem_shared>>) offsets(%arg15 : memref<128xi32, #tpu.memory_space<vmem>>) semaphore(%arg23 : memref<!tpu.dma_semaphore, #tpu.memory_space<semaphore_mem>>) {add = true}
      %dma_start3A_68 = arith.constant 0 : i32
      %dma_start3A_69 = tpu.memref_slice %arg11[%dma_start3A_68] : memref<10112xf32, #tpu.memory_space<vmem_shared>> -> memref<10112xf32, #tpu.memory_space<vmem_shared>>
      tpu.enqueue_indirect_dma source(%arg18 : memref<128xf32, #tpu.memory_space<vmem>>) target(%dma_start3A_69 : memref<10112xf32, #tpu.memory_space<vmem_shared>>) offsets(%arg15 : memref<128xi32, #tpu.memory_space<vmem>>) semaphore(%arg25 : memref<!tpu.dma_semaphore, #tpu.memory_space<semaphore_mem>>) {add = true}
      %dma_wait3A_70 = arith.constant 0 : i32
      %dma_wait3A_71 = arith.constant 0 : i32
      %dma_wait3A_72 = tpu.memref_slice %arg10[%dma_wait3A_70, %dma_wait3A_71] : memref<10112x128xf32, #tpu.memory_space<vmem_shared>> -> memref<10112x128xf32, #tpu.memory_space<vmem_shared>>
      tpu.wait_indirect_dma semaphore(%arg23 : memref<!tpu.dma_semaphore, #tpu.memory_space<semaphore_mem>>) src(%arg17 : memref<128x128xf32, #tpu.memory_space<vmem>>) dst(%dma_wait3A_72 : memref<10112x128xf32, #tpu.memory_space<vmem_shared>>)
      %dma_wait3A_73 = arith.constant 0 : i32
      %dma_wait3A_74 = tpu.memref_slice %arg11[%dma_wait3A_73] : memref<10112xf32, #tpu.memory_space<vmem_shared>> -> memref<10112xf32, #tpu.memory_space<vmem_shared>>
      tpu.wait_indirect_dma semaphore(%arg25 : memref<!tpu.dma_semaphore, #tpu.memory_space<semaphore_mem>>) src(%arg18 : memref<128xf32, #tpu.memory_space<vmem>>) dst(%dma_wait3A_74 : memref<10112xf32, #tpu.memory_space<vmem_shared>>)
    }
    %scan3A_11 = arith.constant 40 : i32
    %dma_wait3A = arith.constant 0 : i32
    %dma_wait3A_12 = arith.constant 0 : i32
    %dma_wait3A_13 = tpu.memref_slice %arg4[%dma_wait3A, %dma_wait3A_12] : memref<10000x128xf32, #tpu.memory_space<hbm>> -> memref<10000x128xf32, #tpu.memory_space<hbm>>
    tpu.wait_indirect_dma semaphore(%arg20 : memref<!tpu.dma_semaphore, #tpu.memory_space<semaphore_mem>>) src(%dma_wait3A_13 : memref<10000x128xf32, #tpu.memory_space<hbm>>) dst(%arg16 : memref<128x128xf32, #tpu.memory_space<vmem>>)
    %dma_start3A_14 = arith.constant 0 : i32
    %dma_start3A_15 = arith.constant 0 : i32
    %dma_start3A_16 = tpu.memref_slice %arg10[%dma_start3A_14, %dma_start3A_15] : memref<10112x128xf32, #tpu.memory_space<vmem_shared>> -> memref<10112x128xf32, #tpu.memory_space<vmem_shared>>
    tpu.enqueue_indirect_dma source(%arg16 : memref<128x128xf32, #tpu.memory_space<vmem>>) target(%dma_start3A_16 : memref<10112x128xf32, #tpu.memory_space<vmem_shared>>) offsets(%arg13 : memref<128xi32, #tpu.memory_space<vmem>>) semaphore(%arg22 : memref<!tpu.dma_semaphore, #tpu.memory_space<semaphore_mem>>) {add = true}
    %dma_start3A_17 = arith.constant 0 : i32
    %dma_start3A_18 = tpu.memref_slice %arg11[%dma_start3A_17] : memref<10112xf32, #tpu.memory_space<vmem_shared>> -> memref<10112xf32, #tpu.memory_space<vmem_shared>>
    tpu.enqueue_indirect_dma source(%arg18 : memref<128xf32, #tpu.memory_space<vmem>>) target(%dma_start3A_18 : memref<10112xf32, #tpu.memory_space<vmem_shared>>) offsets(%arg13 : memref<128xi32, #tpu.memory_space<vmem>>) semaphore(%arg24 : memref<!tpu.dma_semaphore, #tpu.memory_space<semaphore_mem>>) {add = true}
    %dma_wait3A_19 = arith.constant 0 : i32
    %dma_wait3A_20 = arith.constant 0 : i32
    %dma_wait3A_21 = tpu.memref_slice %arg10[%dma_wait3A_19, %dma_wait3A_20] : memref<10112x128xf32, #tpu.memory_space<vmem_shared>> -> memref<10112x128xf32, #tpu.memory_space<vmem_shared>>
    tpu.wait_indirect_dma semaphore(%arg22 : memref<!tpu.dma_semaphore, #tpu.memory_space<semaphore_mem>>) src(%arg16 : memref<128x128xf32, #tpu.memory_space<vmem>>) dst(%dma_wait3A_21 : memref<10112x128xf32, #tpu.memory_space<vmem_shared>>)
    %dma_wait3A_22 = arith.constant 0 : i32
    %dma_wait3A_23 = tpu.memref_slice %arg11[%dma_wait3A_22] : memref<10112xf32, #tpu.memory_space<vmem_shared>> -> memref<10112xf32, #tpu.memory_space<vmem_shared>>
    tpu.wait_indirect_dma semaphore(%arg24 : memref<!tpu.dma_semaphore, #tpu.memory_space<semaphore_mem>>) src(%arg18 : memref<128xf32, #tpu.memory_space<vmem>>) dst(%dma_wait3A_23 : memref<10112xf32, #tpu.memory_space<vmem_shared>>)
    %barrier3A_24 = arith.constant 0 : index
    tpu.barrier barrier_id(%barrier3A_24)
    "tpu.region"() ({
      %run_scoped3A = tpu.sem_alloc : memref<!tpu.dma_semaphore, #tpu.memory_space<semaphore_mem>>
      %dma_start3A_28 = arith.constant 0 : i32
      %dma_start3A_29 = tpu.memref_slice %arg8[%arg0, %mul3A_2, %dma_start3A_28] : memref<2x10112x128xf32, #tpu.memory_space<hbm>> -> memref<1x632x128xf32, #tpu.memory_space<hbm>>
      %dma_start3A_30 = tpu.memref_squeeze %dma_start3A_29 : memref<1x632x128xf32, #tpu.memory_space<hbm>> -> memref<632x128xf32, #tpu.memory_space<hbm>>
      %dma_start3A_31 = arith.constant 0 : i32
      %dma_start3A_32 = tpu.memref_slice %arg10[%mul3A_2, %dma_start3A_31] : memref<10112x128xf32, #tpu.memory_space<vmem_shared>> -> memref<632x128xf32, #tpu.memory_space<vmem_shared>>
      tpu.enqueue_dma source(%dma_start3A_32 : memref<632x128xf32, #tpu.memory_space<vmem_shared>>) target(%dma_start3A_30 : memref<632x128xf32, #tpu.memory_space<hbm>>) target_semaphore(%run_scoped3A : memref<!tpu.dma_semaphore, #tpu.memory_space<semaphore_mem>>)
      %dma_wait3A_33 = arith.constant 0 : i32
      %dma_wait3A_34 = tpu.memref_slice %arg8[%arg0, %mul3A_2, %dma_wait3A_33] : memref<2x10112x128xf32, #tpu.memory_space<hbm>> -> memref<1x632x128xf32, #tpu.memory_space<hbm>>
      %dma_wait3A_35 = tpu.memref_squeeze %dma_wait3A_34 : memref<1x632x128xf32, #tpu.memory_space<hbm>> -> memref<632x128xf32, #tpu.memory_space<hbm>>
      %dma_wait3A_36 = arith.constant 0 : i32
      %dma_wait3A_37 = tpu.memref_slice %arg10[%mul3A_2, %dma_wait3A_36] : memref<10112x128xf32, #tpu.memory_space<vmem_shared>> -> memref<632x128xf32, #tpu.memory_space<vmem_shared>>
      tpu.wait_dma2 semaphore(%run_scoped3A : memref<!tpu.dma_semaphore, #tpu.memory_space<semaphore_mem>>) src(%dma_wait3A_37 : memref<632x128xf32, #tpu.memory_space<vmem_shared>>) dst(%dma_wait3A_35 : memref<632x128xf32, #tpu.memory_space<hbm>>)
      tpu.yield
    }) : () -> ()
    "tpu.region"() ({
      %run_scoped3A = tpu.sem_alloc : memref<!tpu.dma_semaphore, #tpu.memory_space<semaphore_mem>>
      %dma_start3A_28 = tpu.memref_slice %arg11[%mul3A_2] : memref<10112xf32, #tpu.memory_space<vmem_shared>> -> memref<632xf32, #tpu.memory_space<vmem_shared>>
      %dma_start3A_29 = tpu.memref_slice %arg11[%mul3A_2] : memref<10112xf32, #tpu.memory_space<vmem_shared>> -> memref<632xf32, #tpu.memory_space<vmem_shared>>
      tpu.enqueue_dma source(%dma_start3A_29 : memref<632xf32, #tpu.memory_space<vmem_shared>>) target(%arg19 : memref<632xf32, #tpu.memory_space<vmem>>) target_semaphore(%run_scoped3A : memref<!tpu.dma_semaphore, #tpu.memory_space<semaphore_mem>>)
      %dma_wait3A_30 = tpu.memref_slice %arg11[%mul3A_2] : memref<10112xf32, #tpu.memory_space<vmem_shared>> -> memref<632xf32, #tpu.memory_space<vmem_shared>>
      %dma_wait3A_31 = tpu.memref_slice %arg11[%mul3A_2] : memref<10112xf32, #tpu.memory_space<vmem_shared>> -> memref<632xf32, #tpu.memory_space<vmem_shared>>
      tpu.wait_dma2 semaphore(%run_scoped3A : memref<!tpu.dma_semaphore, #tpu.memory_space<semaphore_mem>>) src(%dma_wait3A_31 : memref<632xf32, #tpu.memory_space<vmem_shared>>) dst(%arg19 : memref<632xf32, #tpu.memory_space<vmem>>)
      tpu.yield
    }) : () -> ()
    %mul3A_25 = arith.constant 10112 : i32
    %mul3A_26 = arith.muli %arg0, %mul3A_25 : i32
    %add3A_27 = arith.addi %mul3A_26, %mul3A_2 : i32
    "tpu.region"() ({
      %run_scoped3A = tpu.sem_alloc : memref<!tpu.dma_semaphore, #tpu.memory_space<semaphore_mem>>
      %dma_start3A_28 = tpu.memref_slice %arg9[%add3A_27] : memref<20224xf32, #tpu.memory_space<hbm>> -> memref<632xf32, #tpu.memory_space<hbm>>
      %dma_start3A_29 = tpu.memref_slice %arg9[%add3A_27] : memref<20224xf32, #tpu.memory_space<hbm>> -> memref<632xf32, #tpu.memory_space<hbm>>
      tpu.enqueue_dma source(%arg19 : memref<632xf32, #tpu.memory_space<vmem>>) target(%dma_start3A_29 : memref<632xf32, #tpu.memory_space<hbm>>) target_semaphore(%run_scoped3A : memref<!tpu.dma_semaphore, #tpu.memory_space<semaphore_mem>>)
      %dma_wait3A_30 = tpu.memref_slice %arg9[%add3A_27] : memref<20224xf32, #tpu.memory_space<hbm>> -> memref<632xf32, #tpu.memory_space<hbm>>
      %dma_wait3A_31 = tpu.memref_slice %arg9[%add3A_27] : memref<20224xf32, #tpu.memory_space<hbm>> -> memref<632xf32, #tpu.memory_space<hbm>>
      tpu.wait_dma2 semaphore(%run_scoped3A : memref<!tpu.dma_semaphore, #tpu.memory_space<semaphore_mem>>) src(%arg19 : memref<632xf32, #tpu.memory_space<vmem>>) dst(%dma_wait3A_31 : memref<632xf32, #tpu.memory_space<hbm>>)
      tpu.yield
    }) : () -> ()
    return
  }
}

module attributes {stable_mosaic.version = 14 : i64} {
  func.func @_combine_body(%arg0: memref<2x10112x128xf32, #tpu.memory_space<vmem>>, %arg1: memref<2x10112x1xf32, #tpu.memory_space<vmem>>, %arg2: memref<10000x128xf32, #tpu.memory_space<vmem>>) attributes {dimension_semantics = [], scalar_prefetch = 0 : i64, scratch_operands = 0 : i64, tpu.core_type = #tpu.core_type<tc>} {
    %get3A = arith.constant 0 : index
    %get3A_0 = arith.constant 0 : index
    %get3A_1 = arith.constant 0 : index
    %get3A_2 = vector.load %arg0[%get3A, %get3A_0, %get3A_1] : memref<2x10112x128xf32, #tpu.memory_space<vmem>>, vector<1x10112x128xf32>
    %get3A_3 = vector.shape_cast %get3A_2 : vector<1x10112x128xf32> to vector<10112x128xf32>
    %get3A_4 = arith.constant 1 : index
    %get3A_5 = arith.constant 0 : index
    %get3A_6 = arith.constant 0 : index
    %get3A_7 = vector.load %arg0[%get3A_4, %get3A_5, %get3A_6] : memref<2x10112x128xf32, #tpu.memory_space<vmem>>, vector<1x10112x128xf32>
    %get3A_8 = vector.shape_cast %get3A_7 : vector<1x10112x128xf32> to vector<10112x128xf32>
    %add3A = arith.addf %get3A_3, %get3A_8 : vector<10112x128xf32>
    %get3A_9 = arith.constant 0 : index
    %get3A_10 = arith.constant 0 : index
    %get3A_11 = arith.constant 0 : index
    %get3A_12 = vector.load %arg1[%get3A_9, %get3A_10, %get3A_11] : memref<2x10112x1xf32, #tpu.memory_space<vmem>>, vector<1x10112x1xf32>
    %get3A_13 = vector.shape_cast %get3A_12 : vector<1x10112x1xf32> to vector<10112x1xf32>
    %get3A_14 = arith.constant 1 : index
    %get3A_15 = arith.constant 0 : index
    %get3A_16 = arith.constant 0 : index
    %get3A_17 = vector.load %arg1[%get3A_14, %get3A_15, %get3A_16] : memref<2x10112x1xf32, #tpu.memory_space<vmem>>, vector<1x10112x1xf32>
    %get3A_18 = vector.shape_cast %get3A_17 : vector<1x10112x1xf32> to vector<10112x1xf32>
    %add3A_19 = arith.addf %get3A_13, %get3A_18 : vector<10112x1xf32>
    %gt3A = arith.constant 0.000000e+00 : f32
    %gt3A_20 = vector.broadcast %gt3A : f32 to vector<10112x1xf32>
    %gt3A_21 = arith.cmpf ogt, %add3A_19, %gt3A_20 : vector<10112x1xf32>
    %div3A = vector.broadcast %add3A_19 : vector<10112x1xf32> to vector<10112x128xf32>
    %div3A_22 = arith.divf %add3A, %div3A : vector<10112x128xf32>
    %jit3A = arith.constant 0.000000e+00 : f32
    %broadcast_in_dim3A = vector.shape_cast %gt3A_21 : vector<10112x1xi1> to vector<10112x1xi1>
    %broadcast_in_dim3A_23 = vector.broadcast %broadcast_in_dim3A : vector<10112x1xi1> to vector<10112x128xi1>
    %broadcast_in_dim3A_24 = vector.broadcast %jit3A : f32 to vector<10112x128xf32>
    %select_n3A = arith.select %broadcast_in_dim3A_23, %div3A_22, %broadcast_in_dim3A_24 : vector<10112x128xi1>, vector<10112x128xf32>
    %slice3A = vector.extract_strided_slice %select_n3A {offsets = [0, 0], sizes = [10000, 128], strides = [1, 1]} : vector<10112x128xf32> to vector<10000x128xf32>
    %swap3A = arith.constant 0 : index
    %swap3A_25 = arith.constant 0 : index
    %swap3A_26 = vector.load %arg2[%swap3A, %swap3A_25] : memref<10000x128xf32, #tpu.memory_space<vmem>>, vector<10000x128xf32>
    tpu.vector_store %arg2[%swap3A, %swap3A_25], %slice3A {strides = array<i32>} : memref<10000x128xf32, #tpu.memory_space<vmem>>, vector<10000x128xf32>,
    return
  }
}

</mosaic_0001>

<sc_bundles>
// kernel: kernel.4.cloned.1.call-start
scs
__scs_entry_jumppad:
0x0: {  	(pc) =	sbr.rel $0x88, $3  }
0x1: {  	(tag) =	ssettag $0x0;
	lr =	simm.s32 $0x1  }
0x2: {  	[smem:$0x3F9F] =	sst lr;
	_ =	strace $0xD0000000  }
0x3: {  	_ = 	snop  }
0x4: {  	_ = 	snop  }
0x5: {  	_ = 	snop  }
0x6: {  	_ = 	snop  }
0x7: {  	_ = 	snop  }
__scs_overlays_trampoline_lowered:
0x8: {  	[smem:$0x3FAE] =	sst s0  }
0x9: {  	[smem:$0x3FAF] =	sst s1  }
0xa: {  	[smem:$0x3FB0] =	sst s2  }
0xb: {  	[smem:$0x3FB1] =	sst s3  }
0xc: {  	[smem:$0x3FB2] =	sst s4  }
0xd: {  	[smem:$0x3FB3] =	sst s5  }
0xe: {  	[smem:$0x3FB4] =	sst s6  }
0xf: {  	[smem:$0x3FB5] =	sst s7  }
0x10: {  	[smem:$0x3FB6] =	sst s8  }
0x11: {  	[smem:$0x3FB7] =	sst s9;
	s0 =	simm.s32 @!p0 $0x0  }
0x12: {  	s1 =	sld [smem:$0x3F9D];
	s0 =	simm.s32 @p0 $0x1  }
0x13: {  	[smem:$0x3FB8] =	sst s0;
	s0 =	simm.s32 @!p1 $0x0  }
0x14: {  	s2 =	sld [smem:$0x3F9C];
	s0 =	simm.s32 @p1 $0x1  }
0x15: {  	[smem:$0x3FB9] =	sst s0;
	s0 =	simm.s32 @!p2 $0x0  }
0x16: {  	s3 =	sld [smem:$0x3FDB];
	s0 =	simm.s32 @p2 $0x1  }
0x17: {  	s4 =	simm.s32 $0x1BF5;
	[smem:$0x3FBB] =	sst s0  }
0x18: {  	s0 =	sld [smem:$0x3F9E];
	_ =	swait.ge [sflag:s4], $0x0  }
0x19: {  	s7 =	sld [smem:$0x3F9F]  }
0x1a: {  	s8 =	sadd.s32 $0xFFFFE003, lr  }
0x1b: {  	s9 =	sadd.s32 $0xFFFFFEF7, lr;
	s5 =	simm.s32 $0xFFFFFFFF;
	p2 =	slt.u32 s8, $0xFFFFF086  }
0x1c: {  	p1 =	slt.u32 s9, $0xF7A;
	s5 =	simm.s32 @!p2 $0x0  }
0x1d: {  	s5 =	simm.s32 @p1 $0x1;
	p0 =	seq.s32 s7, s2  }
0x1e: {  	s7 =	smul.u32 @!p0 $0xF7A, s2;
	p2 =	seq.s32 @!p0 s5, $0x0  }
0x1f: {  	s9 =	smul.u32 $0xF7A, s1;
	s8 =	simm.s32 @!p0 $0x1BF5;
	p2 =	por !p2, p0  }
0x20: {  	[sflag:s8] =	ssyncset.s32 @!p0 $0xFFFFF086;
	s6 =	sadd.s32 @!p0 s3, s7;
	s7 =	simm.s32 @!p0 $0x108  }
0x21: {  	s3 =	sadd.s32 s3, s9;
	s6 =	sadd.s32 @!p0 $0x88, s6;
	s7 =	simm.s32 @p2 $0x1082  }
0x22: {  	[simem:s7], [sflag:s8] =	dma.local @!p0 [hbm:s6], $0xF7A  }
0x23: {  	s9 =	sor.u32 $0xD0000000, s2;
	s6 =	simm.s32 $0x108;
	_ =	swait.ge @!p0 [sflag:s8], $0x0  }
0x24: {  	s3 =	sadd.s32 $0x88, s3;
	s6 =	simm.s32 @!p1 $0x1082;
	[sflag:s4] =	ssyncset.s32 $0xFFFFF086  }
0x25: {  	[simem:s6], [sflag:s4] =	dma.local [hbm:s3], $0xF7A  }
0x26: {  	[smem:$0x3F9F] =	sst s1;
	(tag) =	ssettag s2;
	_ =	strace s9  }
0x27: {  	s1 =	sld [smem:$0x3FAF]  }
0x28: {  	s2 =	sld [smem:$0x3FB0]  }
0x29: {  	s4 =	sld [smem:$0x3FB2]  }
0x2a: {  	p0 =	seq.s32 s5, $0x0;
	s5 =	sld [smem:$0x3FB3]  }
0x2b: {  	s6 =	sld [smem:$0x3FB4]  }
0x2c: {  	s7 =	sld [smem:$0x3FB5]  }
0x2d: {  	s3 =	simm.s32 $0x108;
	s8 =	sld [smem:$0x3FB6]  }
0x2e: {  	s3 =	simm.s32 @!p0 $0x1082;
	s9 =	sld [smem:$0x3FB7]  }
0x2f: {  	lr =	sadd.s32 s0, s3;
	s0 =	sld [smem:$0x3FAE]  }
0x30: {  	s3 =	sld [smem:$0x3FB1]  }
0x31: {  	[smem:$0x3FBA] =	sst s10  }
0x32: {  	s10 =	sld [smem:$0x3FB8];
	_ =	sdelay $0x3  }
0x33: {  	p0 =	seq.s32 s10, $0x1;
	s10 =	sld [smem:$0x3FBA];
	_ =	sdelay $0x3  }
0x34: {  	[smem:$0x3FBA] =	sst s10  }
0x35: {  	s10 =	sld [smem:$0x3FB9];
	_ =	sdelay $0x3  }
0x36: {  	p1 =	seq.s32 s10, $0x1;
	s10 =	sld [smem:$0x3FBA];
	_ =	sdelay $0x3  }
0x37: {  	[smem:$0x3FBA] =	sst s10  }
0x38: {  	s10 =	sld [smem:$0x3FBB]  }
0x39: {  	_ = 	snop;
	(pc) =	sbr.ind lr, $3  }
0x3a: {  	_ = 	snop  }
0x3b: {  	_ = 	snop  }
0x3c: {  	p2 =	seq.s32 s10, $0x1;
	s10 =	sld [smem:$0x3FBA]  }
0x3d: {  	_ =	shalt  }
0x3e: {  	_ =	shalt  }
0x3f: {  	_ =	shalt  }
0x40: {  	_ =	shalt  }
0x41: {  	_ =	shalt  }
0x42: {  	_ =	shalt  }
0x43: {  	_ =	shalt  }
0x44: {  	_ =	shalt  }
0x45: {  	_ =	shalt  }
0x46: {  	_ =	shalt  }
0x47: {  	_ =	shalt  }
0x48: {  	_ =	shalt  }
0x49: {  	_ =	shalt  }
0x4a: {  	_ =	shalt  }
0x4b: {  	_ =	shalt  }
0x4c: {  	_ =	shalt  }
0x4d: {  	_ =	shalt  }
0x4e: {  	_ =	shalt  }
0x4f: {  	_ =	shalt  }
0x50: {  	_ =	shalt  }
0x51: {  	_ =	shalt  }
0x52: {  	_ =	shalt  }
0x53: {  	_ =	shalt  }
0x54: {  	_ =	shalt  }
0x55: {  	_ =	shalt  }
0x56: {  	_ =	shalt  }
0x57: {  	_ =	shalt  }
0x58: {  	_ =	shalt  }
0x59: {  	_ =	shalt  }
0x5a: {  	_ =	shalt  }
0x5b: {  	_ =	shalt  }
0x5c: {  	_ =	shalt  }
0x5d: {  	_ =	shalt  }
0x5e: {  	_ =	shalt  }
0x5f: {  	_ =	shalt  }
0x60: {  	_ =	shalt  }
0x61: {  	_ =	shalt  }
0x62: {  	_ =	shalt  }
0x63: {  	_ =	shalt  }
0x64: {  	_ =	shalt  }
0x65: {  	_ =	shalt  }
0x66: {  	_ =	shalt  }
0x67: {  	_ =	shalt  }
0x68: {  	_ =	shalt  }
0x69: {  	_ =	shalt  }
0x6a: {  	_ =	shalt  }
0x6b: {  	_ =	shalt  }
0x6c: {  	_ =	shalt  }
0x6d: {  	_ =	shalt  }
0x6e: {  	_ =	shalt  }
0x6f: {  	_ =	shalt  }
0x70: {  	_ =	shalt  }
0x71: {  	_ =	shalt  }
0x72: {  	_ =	shalt  }
0x73: {  	_ =	shalt  }
0x74: {  	_ =	shalt  }
0x75: {  	_ =	shalt  }
0x76: {  	_ =	shalt  }
0x77: {  	_ =	shalt  }
0x78: {  	_ =	shalt  }
0x79: {  	_ =	shalt  }
0x7a: {  	_ =	shalt  }
0x7b: {  	_ =	shalt  }
0x7c: {  	_ =	shalt  }
0x7d: {  	_ =	shalt  }
0x7e: {  	_ =	shalt  }
0x7f: {  	_ =	shalt  }
0x80: {  	_ =	shalt  }
0x81: {  	_ =	shalt  }
0x82: {  	_ =	shalt  }
0x83: {  	_ =	shalt  }
0x84: {  	_ =	shalt  }
0x85: {  	_ =	shalt  }
0x86: {  	_ =	shalt  }
0x87: {  	_ =	shalt  }
.Lfunc_end0:
.L_simem_size_0:
called_computation_lowered:
.L_overlay_start_0:
0x88: {  	s2 =	sld [smem:$0x3FD9]  }
0x89: {  	s3 =	sld [smem:$0x3FFE];
	_ =	sdelay $0x1  }
0x8a: {  	s1 =	srdreg.scid  }
0x8b: {  	s0 =	sand.u32 $0x1, s1  }
0x8c: {  	s17 =	sshll.u32 s0, $0xA;
	s2 =	sadd.s32 s3, s2  }
0x8d: {  	s2 =	sadd.s32 s2, s17  }
0x8e: {  	[smem:$0x3FC6] =	sst s2  }
0x8f: {  	_ = 	snop  }
0x90: {  	s2 =	sld [smem:$0x3FC9]  }
0x91: {  	s18 =	sld [smem:$0x3FD0];
	(tm) =	ssettm $0x1  }
0x92: {  	s4 =	sld [smem:$0x3FFB];
	_ =	sdelay $0x3  }
0x93: {  	_ =	strace s4  }
0x94: {  	s4 =	sld [smem:$0x3FFC];
	_ =	sdelay $0x3  }
0x95: {  	_ =	strace s4  }
0x96: {  	s4 =	sld [smem:$0x3FFD];
	_ =	sdelay $0x3  }
0x97: {  	_ =	strace s4  }
0x98: {  	_ =	strace $0x8FFFFFFF  }
0x99: {  	s19 =	sld [smem:$0x3FDB];
	_ =	sdelay $0x1  }
0x9a: {  	s5 =	simm.s32 $_scs_section_size  }
0x9b: {  	s6 =	simm.s32 $_size__tile_overlayer_lowered;
	s7 =	simm.s32 $_tile_overlayer_lowered  }
0x9c: {  	s22 =	simm.s32 $0x1BFF;
	s21 =	sshll.u32 s7, $0x1;
	s4 =	sadd.s32 s5, s19  }
0x9d: {  	s8 =	simm.s32 $0x0;
	s20 =	sshll.u32 s6, $0x1;
	s6 =	sadd.s32 s21, s4  }
0x9e: {  	[timem:s8], [sflag:s22] =	dma.local [hbm:s6], s20  }
0x9f: {  	_ =	swait.ge [sflag:s22], s20  }
0xa0: {  	s5 =	ssub.s32 $0x0, s20;
	[sflag:s22] =	ssyncset.done $0x0  }
0xa1: {  	[sflag:s22] =	ssyncadd.s32 s5;
	_ =	sdelay $0x1  }
0xa2: {  	s23 =	simm.s32 $0x1B8B  }
0xa3: {  	_ =	swait.ge [sflag:s23], $0x1  }
0xa4: {  	[sflag:s23] =	ssyncset.done $0x0  }
0xa5: {  	s25 =	simm.s32 $0x1B8E;
	s24 =	sld [smem:$0x3FFE];
	[sflag:s23] =	ssyncadd.s32 $0xFFFFFFFF  }
0xa6: {  	s26 =	simm.s32 $execute0_lowered;
	[smem:$0x3FD2] =	sst s25  }
0xa7: {  	s6 =	sshll.u32 s26, $0x1;
	_ =	strace $0x80000046;
	[dreg:$0x1] =	wrdreg $0xFFFFFFFF  }
0xa8: {  	s28 =	simm.s32 $_size_execute0_lowered;
	s4 =	sadd.s32 s4, s6;
	[dreg:$0x0] =	wrdreg $0x0  }
0xa9: {  	s6 =	sshll.u32 s28, $0x1;
	[dreg:$0x2] =	wrdreg s4  }
0xaa: {  	[dreg:$0x3] =	wrdreg s6  }
0xab: {  	[dreg:$0x4] =	wrdreg $0xC0  }
0xac: {  	_ =	task [dreg:s8], $0x5FFFF  }
0xad: {  	[dreg:$0x1] =	wrdreg $0xFFFFFFFF  }
0xae: {  	[dreg:$0x0] =	wrdreg $0x60  }
0xaf: {  	[dreg:$0x2] =	wrdreg s18  }
0xb0: {  	[dreg:$0x3] =	wrdreg s24  }
0xb1: {  	[dreg:$0x4] =	wrdreg s2  }
0xb2: {  	[dreg:$0x5] =	wrdreg $0x0  }
0xb3: {  	[dreg:$0x6] =	wrdreg $0x13C000  }
0xb4: {  	[dreg:$0x7] =	wrdreg $0x9  }
0xb5: {  	_ =	task.clear_ibuf [dreg:s8], $0x8FFFF;
	_ =	strace $0x90000046  }
0xb6: {  	s29 =	simm.s32 $0x9;
	_ =	strace $0x80000048  }
0xb7: {  	_ =	swait.ge [sflag:s29], $0x1  }
0xb8: {  	[sflag:s29] =	ssyncadd.s32 $0xFFFFFFFF  }
0xb9: {  	_ =	strace $0x90000048  }
0xba: {  	_ =	sfence  }
0xbb: {  	s30 =	sld [smem:$0x0];
	_ =	sdelay $0x2  }
0xbc: {  	s31 =	sshll.u32 s1, $0xD;
	s1 =	sshrl.u32 s1, $0x2  }
0xbd: {  	s3 =	sand.u32 $0x4000, s31;
	s1 =	sadd.s32 s1, s30  }
0xbe: {  	s0 =	sor.u32 s3, s0;
	s1 =	sshll.u32 s1, $0x11  }
0xbf: {  	s0 =	sor.u32 s1, s0  }
0xc0: {  	s0 =	sadd.s32 $0x8F2B, s0  }
0xc1: {  	[sflag:s0] =	ssyncadd.remote.s32 $0x1  }
0xc2: {  	_ =	sfence.sel $0xFFFF  }
0xc3: {  	[dreg:$0x0] =	wrdreg $0xFFFFFFFF;
	(pc) =	sbr.abs _section_cstart, $3  }
0xc4: {  	[dreg:$0x1] =	wrdreg $0xFFFFFFFF  }
0xc5: {  	_ =	task.clear_ibuf [dreg:s8], $0x2FFFF;
	_ =	strace $0x9FFFFFFF  }
0xc6: {  	(tm) =	ssettm $0x7FFFFFFF  }
0xc7: {  	_ =	shalt  }
tec
execute0_lowered:
.L_overlay_start_1:
0x0: {  	(tag) =	ssettag $0x1  }
0x1: {  	s1 =	rddreg [dreg:$0x0]  }
0x2: {  	s0 =	rddreg [dreg:$0x1]  }
0x3: {  	s2 =	rddreg [dreg:$0x2]  }
0x4: {  	s3 =	rddreg [dreg:$0x3]  }
0x5: {  	s4 =	rddreg [dreg:$0x4]  }
0x6: {  	s6 =	simm.s32 $0x0;
	s5 =	srdreg.scid;
	s15 =	stileid.u32  }
0x7: {  	s28 =	simm.s32 $0x14078;
	s29 =	simm.s32 $0x13F78;
	s30 =	simm.s32 $0x13FF8  }
0x8: {  	s31 =	simm.s32 $0x18078;
	[smem:$0x7FF] =	sst s6;
	s5 =	sand.u32 $0x1, s5  }
0x9: {  	s9 =	smul.u32 $0x13C00, s15;
	s7 =	sadd.s32 $0x200, s0;
	s10 =	sadd.s32 $0xA800, s0  }
0xa: {  	s26 =	smul.u32 $0x278, s15;
	s11 =	sadd.s32 $0xA600, s0;
	s16 =	sadd.s32 $0xA400, s0  }
0xb: {  	s12 =	smul.u32 $0x4F000, s15;
	_ =	strace $0x80000047;
	[dreg:$0x7] =	wrdreg s10  }
0xc: {  	s20 =	sshll.u32 s15, $0x6;
	s8 =	smul.u32 $0x13C000, s5;
	[dreg:$0x8] =	wrdreg s11  }
0xd: {  	s14 =	smul.u32 $0x2780, s5;
	[dreg:$0x9] =	wrdreg s16;
	s17 =	sshll.u32 s5, $0x4  }
0xe: {  	s18 =	ssub.s32 $0x2, s5;
	s5 =	smul.u32 $0x28800, s5;
	s10 =	simm.s32 $0x4  }
0xf: {  	s11 =	sor.u32 s15, s17;
	s13 =	sshrl.u32 s18, $0x1;
	s12 =	sshrl.u32 s12, $0x2  }
0x10: {  	s17 =	simm.s32 $0x1C0F8;
	s8 =	sadd.s32 s9, s8;
	s11 =	smul.u32 $0x2880, s11  }
0x11: {  	s9 =	sadd.s32 s26, s14;
	s14 =	smul.u32 $0x2880, s15;
	s19 =	sadd.s32 s12, s3  }
0x12: {  	s12 =	sor.u32 $0x1C07, s20;
	s15 =	sadd.s32 s26, s4;
	s8 =	sshrl.u32 s8, $0x3  }
0x13: {  	s9 =	sshrl.u32 s9, $0x3;
	s16 =	sshrl.u32 s19, $0x3;
	s8 =	sadd.s32 s8, s0  }
0x14: {  	s0 =	sadd.s32 s9, s0;
	s9 =	ssub.s32 s18, s13;
	s11 =	sshrl.u32 s11, $0x3  }
0x15: {  	s5 =	sadd.s32 s14, s5;
	[dreg:$0x10] =	wrdreg s16;
	s21 =	sadd.s32 s1, s11  }
0x16: {  	s13 =	simm.s32 $0x6;
	s11 =	sadd.s32 s7, s11;
	[dreg:$0xa] =	wrdreg s21  }
0x17: {  	s14 =	simm.s32 $0x0;
	s8 =	sadd.s32 $0xDA00, s8;
	[dreg:$0xb] =	wrdreg s11  }
0x18: {  	s22 =	sadd.s32 $0x80, s5;
	s0 =	sadd.s32 $0xD000, s0;
	[dreg:$0xc] =	wrdreg s8  }
0x19: {  	s24 =	smax.u32 s9, $0x1;
	s26 =	sadd.s32 $0x100, s5;
	[dreg:$0xd] =	wrdreg s0  }
0x1a: {  	s5 =	simm.s32 $0x3;
	s9 =	simm.s32 $0x2;
	[dreg:$0xe] =	wrdreg s24  }
0x1b: {  	s23 =	sshrl.u32 s22, $0x3;
	[dreg:$0xf] =	wrdreg s26;
	s21 =	simm.s32 $0x7  }
0x1c: {  	s24 =	simm.s32 $0x13E78;
	s26 =	simm.s32 $0x80;
	s0 =	simm.s32 $0x1  }
0x1d: {  	s8 =	simm.s32 $0x5;
	s25 =	sadd.s32 s23, s7;
	s18 =	sadd.s32 s23, s1  }
0x1e: {  	s23 =	simm.s32 $0x1C078;
	[dreg:$0x6] =	wrdreg s25;
	s25 =	simm.s32 $0x13EF8  }
.LBB2_1:
0x1f: {  	s11 =	rddreg [dreg:$0x7]  }
0x20: {  	[spmem:s16], [sflag:s12] =	dma.local [hbm:s11], $0x2780  }
0x21: {  	_ =	swait.ge [sflag:s21], $0x2780  }
0x22: {  	[sflag:s21] =	ssyncset.done $0x0  }
0x23: {  	s16 =	rddreg [dreg:$0x8];
	[sflag:s21] =	ssyncadd.s32 $0xFFFFD880  }
0x24: {  	[tilespmem:s17], [sflag:$0x7] =	stream.linear.gather [hbm4b:s16+s6], $0x280, $0x38;
	[tilespmem:$0x1C378] =	vst v63  }
0x25: {  	_ =	swait.ge [sflag:s21], $0x280  }
0x26: {  	[sflag:s21] =	ssyncset.done $0x0  }
0x27: {  	[sflag:s21] =	ssyncadd.s32 $0xFFFFFD80  }
0x28: {  	[spmem:s15] =	stream.linear.scatter [tilespmem:s17], [sflag:$0x7], $0x278, $0x38;
	[tilespmem:$0x1C378] =	vst v63  }
0x29: {  	_ =	swait.ge [sflag:s21], $0x278  }
0x2a: {  	[sflag:s21] =	ssyncset.done $0x0  }
0x2b: {  	s17 =	rddreg [dreg:$0x9];
	[sflag:s21] =	ssyncadd.s32 $0xFFFFFD88  }
0x2c: {  	[tilespmem:s23], [sflag:$0x7] =	stream.linear.gather [hbm4b:s17+s6], $0x80, $0x38;
	[tilespmem:$0x1C378] =	vst v63  }
0x2d: {  	_ =	swait.ge [sflag:s21], $0x80  }
0x2e: {  	[sflag:s21] =	ssyncset.done $0x0  }
0x2f: {  	[sflag:s21] =	ssyncadd.s32 $0xFFFFFF80  }
0x30: {  	[bflag:$0x0] =	sbarrier.arrive $0xFFFF  }
0x31: {  	s19 =	rddreg [dreg:$0xa]  }
0x32: {  	[tilespmem:s24], [sflag:$0x7] =	stream.linear.gather [hbm4b:s19+s6], $0x80, $0x38;
	[tilespmem:$0x1C378] =	vst v63  }
0x33: {  	_ =	swait.ge [sflag:s21], $0x80  }
0x34: {  	[sflag:s21] =	ssyncset.done $0x0  }
0x35: {  	s22 =	smov.u32 s12;
	s12 =	rddreg [dreg:$0xb];
	[sflag:s21] =	ssyncadd.s32 $0xFFFFFF80  }
0x36: {  	[tilespmem:s25], [sflag:$0x7] =	stream.linear.gather [hbm4b:s12+s6], $0x80, $0x38;
	[tilespmem:$0x1C378] =	vst v63  }
0x37: {  	_ =	swait.ge [sflag:s21], $0x80  }
0x38: {  	[sflag:s21] =	ssyncset.done $0x0  }
0x39: {  	[sflag:s21] =	ssyncadd.s32 $0xFFFFFF80  }
0x3a: {  	[tilespmem:s28], [sflag:$0x1] =	stream.indirect.gather [hbm4b:s2+s26], $0x80, s24, s26, $0xb8;
	[tilespmem:$0x1C378] =	vst v63  }
0x3b: {  	s20 =	smov.u32 s15;
	s15 =	sadd.s32 $0x0, s18  }
0x3c: {  	[tilespmem:s29], [sflag:$0x7] =	stream.linear.gather [hbm4b:s15+s6], $0x80, $0x38;
	[tilespmem:$0x1C378] =	vst v63  }
0x3d: {  	_ =	swait.ge [sflag:s21], $0x80  }
0x3e: {  	s16 =	rddreg [dreg:$0x6];
	[sflag:s21] =	ssyncset.done $0x0  }
0x3f: {  	[sflag:s21] =	ssyncadd.s32 $0xFFFFFF80;
	s11 =	sadd.s32 $0x0, s16  }
0x40: {  	[tilespmem:s30], [sflag:$0x7] =	stream.linear.gather [hbm4b:s11+s6], $0x80, $0x38;
	[tilespmem:$0x1C378] =	vst v63  }
0x41: {  	_ =	swait.ge [sflag:s21], $0x80  }
0x42: {  	[sflag:s21] =	ssyncset.done $0x0  }
0x43: {  	[sflag:s21] =	ssyncadd.s32 $0xFFFFFF80  }
0x44: {  	[tilespmem:s31], [sflag:$0x2] =	stream.indirect.gather [hbm4b:s2+s26], $0x80, s29, s26, $0xb8;
	[tilespmem:$0x1C378] =	vst v63  }
0x45: {  	_ =	swait.ge [sflag:s0], $0x4000  }
0x46: {  	[sflag:s0] =	ssyncset.done $0x0  }
0x47: {  	[sflag:s0] =	ssyncadd.s32 $0xFFFFC000  }
0x48: {  	[spmem:s3] =	stream.indirect.scatter.add.f32 [tilespmem:s28], [sflag:$0x3], $0x80, s25, s26, $0xb8;
	[tilespmem:$0x1C378] =	vst v63  }
0x49: {  	_ = 	snop  }
0x4a: {  	[spmem:s4] =	stream.indirect.scatter.add.f32 [tilespmem:s23], [sflag:$0x5], $0x1, s25, s26, $0xb8;
	[tilespmem:$0x1C378] =	vst v63  }
0x4b: {  	_ =	swait.ge [sflag:s5], $0x4000  }
0x4c: {  	[sflag:s5] =	ssyncset.done $0x0  }
0x4d: {  	[sflag:s5] =	ssyncadd.s32 $0xFFFFC000  }
0x4e: {  	_ =	swait.ge [sflag:s8], $0x80  }
0x4f: {  	s12 =	rddreg [dreg:$0xf]  }
0x50: {  	[sflag:s8] =	ssyncset.done $0x0;
	s17 =	sshrl.u32 s12, $0x3  }
0x51: {  	[sflag:s8] =	ssyncadd.s32 $0xFFFFFF80;
	s19 =	sadd.s32 s1, s17  }
0x52: {  	[tilespmem:s24], [sflag:$0x7] =	stream.linear.gather [hbm4b:s19+s6], $0x80, $0x38;
	[tilespmem:$0x1C378] =	vst v63  }
0x53: {  	_ =	swait.ge [sflag:s21], $0x80  }
0x54: {  	[sflag:s21] =	ssyncset.done $0x0  }
0x55: {  	s11 =	sadd.s32 s7, s17;
	[sflag:s21] =	ssyncadd.s32 $0xFFFFFF80  }
0x56: {  	[tilespmem:s25], [sflag:$0x7] =	stream.linear.gather [hbm4b:s11+s6], $0x80, $0x38;
	[tilespmem:$0x1C378] =	vst v63  }
0x57: {  	_ =	swait.ge [sflag:s21], $0x80  }
0x58: {  	[sflag:s21] =	ssyncset.done $0x0  }
0x59: {  	[sflag:s21] =	ssyncadd.s32 $0xFFFFFF80  }
0x5a: {  	[tilespmem:s28], [sflag:$0x1] =	stream.indirect.gather [hbm4b:s2+s26], $0x80, s24, s26, $0xb8;
	[tilespmem:$0x1C378] =	vst v63  }
0x5b: {  	_ =	swait.ge [sflag:s9], $0x4000  }
0x5c: {  	[sflag:s9] =	ssyncset.done $0x0  }
0x5d: {  	[sflag:s9] =	ssyncadd.s32 $0xFFFFC000  }
0x5e: {  	[spmem:s3] =	stream.indirect.scatter.add.f32 [tilespmem:s31], [sflag:$0x4], $0x80, s30, s26, $0xb8;
	[tilespmem:$0x1C378] =	vst v63  }
0x5f: {  	_ = 	snop  }
0x60: {  	[spmem:s4] =	stream.indirect.scatter.add.f32 [tilespmem:s23], [sflag:$0x6], $0x1, s30, s26, $0xb8;
	[tilespmem:$0x1C378] =	vst v63  }
0x61: {  	_ =	swait.ge [sflag:s10], $0x4000  }
0x62: {  	[sflag:s10] =	ssyncset.done $0x0  }
0x63: {  	[sflag:s10] =	ssyncadd.s32 $0xFFFFC000  }
0x64: {  	s16 =	simm.s32 $0x20;
	_ =	swait.ge [sflag:s13], $0x80  }
0x65: {  	s15 =	sadd.s32 $0x100, s12;
	s17 =	simm.s32 $0x40;
	[sflag:s13] =	ssyncset.done $0x0  }
.LBB2_2:
0x66: {  	s12 =	sadd.s32 s16, s18;
	[sflag:s13] =	ssyncadd.s32 $0xFFFFFF80  }
0x67: {  	[tilespmem:s29], [sflag:$0x7] =	stream.linear.gather [hbm4b:s12+s6], $0x80, $0x38;
	[tilespmem:$0x1C378] =	vst v63  }
0x68: {  	s19 =	smov.u32 s17;
	s11 =	sadd.s32 $0x20, s17;
	_ =	swait.ge [sflag:s21], $0x80  }
0x69: {  	p0 =	sne.s32 s17, $0x4E0;
	s17 =	rddreg [dreg:$0x6];
	[sflag:s21] =	ssyncset.done $0x0  }
0x6a: {  	[sflag:s21] =	ssyncadd.s32 $0xFFFFFF80;
	s12 =	sadd.s32 s16, s17  }
0x6b: {  	[tilespmem:s30], [sflag:$0x7] =	stream.linear.gather [hbm4b:s12+s6], $0x80, $0x38;
	[tilespmem:$0x1C378] =	vst v63  }
0x6c: {  	_ =	swait.ge [sflag:s21], $0x80  }
0x6d: {  	[sflag:s21] =	ssyncset.done $0x0  }
0x6e: {  	[sflag:s21] =	ssyncadd.s32 $0xFFFFFF80  }
0x6f: {  	[tilespmem:s31], [sflag:$0x2] =	stream.indirect.gather [hbm4b:s2+s26], $0x80, s29, s26, $0xb8;
	[tilespmem:$0x1C378] =	vst v63  }
0x70: {  	_ =	swait.ge [sflag:s0], $0x4000  }
0x71: {  	[sflag:s0] =	ssyncset.done $0x0  }
0x72: {  	[sflag:s0] =	ssyncadd.s32 $0xFFFFC000  }
0x73: {  	[spmem:s3] =	stream.indirect.scatter.add.f32 [tilespmem:s28], [sflag:$0x3], $0x80, s25, s26, $0xb8;
	[tilespmem:$0x1C378] =	vst v63  }
0x74: {  	_ = 	snop  }
0x75: {  	[spmem:s4] =	stream.indirect.scatter.add.f32 [tilespmem:s23], [sflag:$0x5], $0x1, s25, s26, $0xb8;
	[tilespmem:$0x1C378] =	vst v63  }
0x76: {  	_ =	swait.ge [sflag:s5], $0x4000  }
0x77: {  	[sflag:s5] =	ssyncset.done $0x0  }
0x78: {  	[sflag:s5] =	ssyncadd.s32 $0xFFFFC000  }
0x79: {  	_ =	swait.ge [sflag:s8], $0x80  }
0x7a: {  	s12 =	sshrl.u32 s15, $0x3;
	[sflag:s8] =	ssyncset.done $0x0  }
0x7b: {  	s16 =	smov.u32 s19;
	s19 =	sadd.s32 s1, s12;
	[sflag:s8] =	ssyncadd.s32 $0xFFFFFF80  }
0x7c: {  	[tilespmem:s24], [sflag:$0x7] =	stream.linear.gather [hbm4b:s19+s6], $0x80, $0x38;
	[tilespmem:$0x1C378] =	vst v63  }
0x7d: {  	_ =	swait.ge [sflag:s21], $0x80  }
0x7e: {  	[sflag:s21] =	ssyncset.done $0x0  }
0x7f: {  	s12 =	sadd.s32 s7, s12;
	[sflag:s21] =	ssyncadd.s32 $0xFFFFFF80  }
0x80: {  	[tilespmem:s25], [sflag:$0x7] =	stream.linear.gather [hbm4b:s12+s6], $0x80, $0x38;
	[tilespmem:$0x1C378] =	vst v63  }
0x81: {  	_ =	swait.ge [sflag:s21], $0x80  }
0x82: {  	[sflag:s21] =	ssyncset.done $0x0  }
0x83: {  	[sflag:s21] =	ssyncadd.s32 $0xFFFFFF80  }
0x84: {  	[tilespmem:s28], [sflag:$0x1] =	stream.indirect.gather [hbm4b:s2+s26], $0x80, s24, s26, $0xb8;
	[tilespmem:$0x1C378] =	vst v63  }
0x85: {  	_ =	swait.ge [sflag:s9], $0x4000  }
0x86: {  	[sflag:s9] =	ssyncset.done $0x0  }
0x87: {  	[sflag:s9] =	ssyncadd.s32 $0xFFFFC000  }
0x88: {  	[spmem:s3] =	stream.indirect.scatter.add.f32 [tilespmem:s31], [sflag:$0x4], $0x80, s30, s26, $0xb8;
	[tilespmem:$0x1C378] =	vst v63  }
0x89: {  	_ = 	snop  }
0x8a: {  	[spmem:s4] =	stream.indirect.scatter.add.f32 [tilespmem:s23], [sflag:$0x6], $0x1, s30, s26, $0xb8;
	[tilespmem:$0x1C378] =	vst v63  }
.Ltmp0:
0x8b: {  	_ =	swait.ge [sflag:s10], $0x4000;
	(pc) =	sbr.rel @p0 .LBB2_2-.Ltmp0, $4  }
0x8c: {  	[sflag:s10] =	ssyncset.done $0x0  }
0x8d: {  	[sflag:s10] =	ssyncadd.s32 $0xFFFFC000  }
0x8e: {  	_ =	swait.ge [sflag:s13], $0x80  }
0x8f: {  	s17 =	smov.u32 s11;
	s15 =	sadd.s32 $0x100, s15;
	[sflag:s13] =	ssyncset.done $0x0  }
0x90: {  	s11 =	sadd.s32 s16, s18;
	[sflag:s13] =	ssyncadd.s32 $0xFFFFFF80  }
0x91: {  	[tilespmem:s29], [sflag:$0x7] =	stream.linear.gather [hbm4b:s11+s6], $0x80, $0x38;
	[tilespmem:$0x1C378] =	vst v63  }
0x92: {  	_ =	swait.ge [sflag:s21], $0x80  }
0x93: {  	s12 =	rddreg [dreg:$0x6];
	[sflag:s21] =	ssyncset.done $0x0  }
0x94: {  	s11 =	sadd.s32 s16, s12;
	[sflag:s21] =	ssyncadd.s32 $0xFFFFFF80  }
0x95: {  	[tilespmem:s30], [sflag:$0x7] =	stream.linear.gather [hbm4b:s11+s6], $0x80, $0x38;
	[tilespmem:$0x1C378] =	vst v63  }
0x96: {  	_ =	swait.ge [sflag:s21], $0x80  }
0x97: {  	[sflag:s21] =	ssyncset.done $0x0  }
0x98: {  	[sflag:s21] =	ssyncadd.s32 $0xFFFFFF80  }
0x99: {  	[tilespmem:s31], [sflag:$0x2] =	stream.indirect.gather [hbm4b:s2+s26], $0x80, s29, s26, $0xb8;
	[tilespmem:$0x1C378] =	vst v63  }
0x9a: {  	_ =	swait.ge [sflag:s0], $0x4000  }
0x9b: {  	[sflag:s0] =	ssyncset.done $0x0  }
0x9c: {  	[sflag:s0] =	ssyncadd.s32 $0xFFFFC000  }
0x9d: {  	[spmem:s3] =	stream.indirect.scatter.add.f32 [tilespmem:s28], [sflag:$0x3], $0x80, s25, s26, $0xb8;
	[tilespmem:$0x1C378] =	vst v63  }
0x9e: {  	_ = 	snop  }
0x9f: {  	[spmem:s4] =	stream.indirect.scatter.add.f32 [tilespmem:s23], [sflag:$0x5], $0x1, s25, s26, $0xb8;
	[tilespmem:$0x1C378] =	vst v63  }
0xa0: {  	_ =	swait.ge [sflag:s5], $0x4000  }
0xa1: {  	[sflag:s5] =	ssyncset.done $0x0  }
0xa2: {  	[sflag:s5] =	ssyncadd.s32 $0xFFFFC000  }
0xa3: {  	_ =	swait.ge [sflag:s8], $0x80  }
0xa4: {  	s17 =	sshrl.u32 s15, $0x3;
	[sflag:s8] =	ssyncset.done $0x0  }
0xa5: {  	s12 =	sadd.s32 s1, s17;
	[sflag:s8] =	ssyncadd.s32 $0xFFFFFF80  }
0xa6: {  	[tilespmem:s24], [sflag:$0x7] =	stream.linear.gather [hbm4b:s12+s6], $0x80, $0x38;
	[tilespmem:$0x1C378] =	vst v63  }
0xa7: {  	_ =	swait.ge [sflag:s21], $0x80  }
0xa8: {  	[sflag:s21] =	ssyncset.done $0x0  }
0xa9: {  	s11 =	sadd.s32 s7, s17;
	[sflag:s21] =	ssyncadd.s32 $0xFFFFFF80  }
0xaa: {  	[tilespmem:s25], [sflag:$0x7] =	stream.linear.gather [hbm4b:s11+s6], $0x80, $0x38;
	[tilespmem:$0x1C378] =	vst v63  }
0xab: {  	_ =	swait.ge [sflag:s21], $0x80  }
0xac: {  	[sflag:s21] =	ssyncset.done $0x0  }
0xad: {  	[sflag:s21] =	ssyncadd.s32 $0xFFFFFF80  }
0xae: {  	[tilespmem:s28], [sflag:$0x1] =	stream.indirect.gather [hbm4b:s2+s26], $0x80, s24, s26, $0xb8;
	[tilespmem:$0x1C378] =	vst v63  }
0xaf: {  	_ =	swait.ge [sflag:s9], $0x4000  }
0xb0: {  	[sflag:s9] =	ssyncset.done $0x0  }
0xb1: {  	[sflag:s9] =	ssyncadd.s32 $0xFFFFC000  }
0xb2: {  	[spmem:s3] =	stream.indirect.scatter.add.f32 [tilespmem:s31], [sflag:$0x4], $0x80, s30, s26, $0xb8;
	[tilespmem:$0x1C378] =	vst v63  }
0xb3: {  	_ = 	snop  }
0xb4: {  	[spmem:s4] =	stream.indirect.scatter.add.f32 [tilespmem:s23], [sflag:$0x6], $0x1, s30, s26, $0xb8;
	[tilespmem:$0x1C378] =	vst v63  }
0xb5: {  	_ =	swait.ge [sflag:s10], $0x4000  }
0xb6: {  	[sflag:s10] =	ssyncset.done $0x0  }
0xb7: {  	[sflag:s10] =	ssyncadd.s32 $0xFFFFC000  }
0xb8: {  	_ =	swait.ge [sflag:s13], $0x80  }
0xb9: {  	[sflag:s13] =	ssyncset.done $0x0  }
0xba: {  	[sflag:s13] =	ssyncadd.s32 $0xFFFFFF80  }
0xbb: {  	_ =	swait.ge [sflag:s0], $0x4000  }
0xbc: {  	[sflag:s0] =	ssyncset.done $0x0  }
0xbd: {  	[sflag:s0] =	ssyncadd.s32 $0xFFFFC000  }
0xbe: {  	[spmem:s3] =	stream.indirect.scatter.add.f32 [tilespmem:s28], [sflag:$0x3], $0x80, s25, s26, $0xb8;
	[tilespmem:$0x1C378] =	vst v63  }
0xbf: {  	_ = 	snop  }
0xc0: {  	[spmem:s4] =	stream.indirect.scatter.add.f32 [tilespmem:s23], [sflag:$0x5], $0x1, s25, s26, $0xb8;
	[tilespmem:$0x1C378] =	vst v63  }
0xc1: {  	_ =	swait.ge [sflag:s5], $0x4000  }
0xc2: {  	[sflag:s5] =	ssyncset.done $0x0  }
0xc3: {  	[sflag:s5] =	ssyncadd.s32 $0xFFFFC000  }
0xc4: {  	_ =	swait.ge [sflag:s8], $0x80  }
0xc5: {  	[sflag:s8] =	ssyncset.done $0x0  }
0xc6: {  	[sflag:s8] =	ssyncadd.s32 $0xFFFFFF80  }
0xc7: {  	[bflag:$0x0] =	sbarrier.arrive $0xFFFF  }
0xc8: {  	s19 =	rddreg [dreg:$0xc]  }
0xc9: {  	s16 =	rddreg [dreg:$0x10]  }
0xca: {  	[hbm:s19], [sflag:s22] =	dma.local [spmem:s16], $0x2780  }
0xcb: {  	_ =	swait.ge [sflag:s21], $0x2780  }
0xcc: {  	[sflag:s21] =	ssyncset.done $0x0  }
0xcd: {  	s17 =	simm.s32 $0x1C0F8;
	[sflag:s21] =	ssyncadd.s32 $0xFFFFD880  }
0xce: {  	[tilespmem:s17], [sflag:$0x7] =	stream.linear.gather [spmem:s20], $0x278, $0x38;
	[tilespmem:$0x1C378] =	vst v63  }
0xcf: {  	_ =	swait.ge [sflag:s21], $0x278  }
0xd0: {  	[sflag:s21] =	ssyncset.done $0x0  }
0xd1: {  	s15 =	smov.u32 s20;
	s20 =	rddreg [dreg:$0xd];
	[sflag:s21] =	ssyncadd.s32 $0xFFFFFD88  }
0xd2: {  	[hbm4b:s20+s6] =	stream.linear.scatter [tilespmem:s17], [sflag:$0x7], $0x278, $0x38;
	[tilespmem:$0x1C378] =	vst v63  }
0xd3: {  	_ =	swait.ge [sflag:s21], $0x278  }
0xd4: {  	s14 =	sadd.s32 $0x1, s14;
	s12 =	smov.u32 s22;
	s22 =	rddreg [dreg:$0xe]  }
0xd5: {  	p0 =	sne.s32 s14, s22  }
.Ltmp1:
0xd6: {  	_ = 	snop;
	(pc) =	sbr.rel @p0 .LBB2_1-.Ltmp1, $3  }
0xd7: {  	_ =	sdelay $0x1  }
0xd8: {  	[sflag:s21] =	ssyncset.done $0x0  }
0xd9: {  	[sflag:s21] =	ssyncadd.s32 $0xFFFFFD88  }
0xda: {  	_ =	sfence.sel $0x180000  }
0xdb: {  	[bflag:$0x0] =	sbarrier.arrive $0xFFFF  }
0xdc: {  	_ =	strace $0x90000047  }
0xdd: {  	s0 =	stileid.u32;
	[bflag:$0x2] =	sbarrier.arrive $0xFFFF  }
0xde: {  	p0 =	sne.s32 s0, $0x0;
	s0 =	rddreg [dreg:$0x5]  }
0xdf: {  	s0 =	sadd.s32 @!p0 $0x100000, s0  }
0xe0: {  	[sflag:s0] =	ssyncadd.tile.s32 @!p0 $0x1;
	_ =	shalt  }
.Lfunc_end2:
_tile_overlayer_lowered:
.L_overlay_start_2:
0xe1: {  	(tag) =	ssettag $0x2  }
0xe2: {  	s0 =	rddreg [dreg:$0x0];
	s2 =	stileid.u32  }
0xe3: {  	s1 =	rddreg [dreg:$0x1];
	p0 =	sne.s32 s2, $0x0  }
0xe4: {  	s3 =	rddreg [dreg:$0x2];
	[bflag:$0x3] =	sbarrier.arrive $0xFFFF;
	s2 =	simm.s32 @!p0 $0x1C07  }
0xe5: {  	[timem:s3], [sflag:s2] =	dma.local @!p0 [hbm:s0], s1  }
0xe6: {  	s0 =	simm.s32 @!p0 $0x7  }
0xe7: {  	_ =	swait.ge @!p0 [sflag:s0], s1  }
0xe8: {  	s1 =	ssub.s32 @!p0 $0x0, s1;
	[sflag:s0] =	ssyncset.done @!p0 $0x0  }
0xe9: {  	[sflag:s0] =	ssyncadd.s32 @!p0 s1  }
0xea: {  	[bflag:$0x3] =	sbarrier.arrive $0xFFFF  }
0xeb: {  	_ =	shalt  }

</sc_bundles>
